<compile_context>
chip_gen: v7x
topology: tpu7x:2x2x1
jax: 0.10.2.dev20260603
libtpu: 0.0.44.dev20260713+nightly
codegen_flags: <defaults>
</compile_context>

<pallas_src>
import functools

import jax
import jax.numpy as jnp
from jax import lax
from jax.experimental import pallas as pl
from jax.experimental.pallas import tpu as pltpu
from jax.experimental.pallas import tpu_sc as plsc

NC = 2
NS = 16
NW = NC * NS
CHUNK = 128
GROUP = 8
PERIOD = 512


NB = 16384


def _tc_repack(table_t):
    d, v = table_t.shape
    grid = (v + NB - 1) // NB
    h = NB // 2

    def body(in_ref, out_ref):
        xt = in_ref[...].T
        out_ref[...] = jnp.concatenate([xt[:h], xt[h:]], axis=1)

    return pl.pallas_call(
        body,
        grid=(grid,),
        in_specs=[pl.BlockSpec((d, NB), lambda i: (0, i))],
        out_specs=pl.BlockSpec((h, 2 * d), lambda i: (i, 0)),
        out_shape=jax.ShapeDtypeStruct((grid * h, 2 * d), jnp.float32),
    )(table_t)


def _perm_ids(ids):
    h = NB // 2
    g = ids // NB
    j = ids % NB
    return 2 * (g * h + (j % h)) + (j // h)


def _sc_gather2(ids_a, ids_b, table):
    half = ids_a.shape[0]
    n = 2 * half
    d = table.shape[1]
    nch = n // (NW * CHUNK)
    ngrp = nch // GROUP
    rows_per_w = nch * CHUNK
    hw = half // NW
    ids_a2 = ids_a.reshape(NW, hw)
    ids_b2 = ids_b.reshape(NW, hw)
    mesh = plsc.VectorSubcoreMesh(core_axis_name="c", subcore_axis_name="s")

    @functools.partial(
        pl.kernel,
        out_type=jax.ShapeDtypeStruct((n, d), table.dtype),
        mesh=mesh,
        scratch_types=[
            pltpu.VMEM((hw,), jnp.int32),
            pltpu.VMEM((hw,), jnp.int32),
            pltpu.VMEM((2 * hw,), jnp.int32),
            pltpu.VMEM((GROUP * CHUNK, d), table.dtype),
            pltpu.SemaphoreType.DMA,
        ],
        compiler_params=pltpu.CompilerParams(
            use_tc_tiling_on_sc=False, needs_layout_passes=False),
    )
    def gather_kernel(a_hbm, b_hbm, table_hbm, out_hbm,
                      a_v, b_v, idx_v, rows_v, sem):
        wid = lax.axis_index("s") * NC + lax.axis_index("c")
        base = wid * rows_per_w
        pltpu.sync_copy(a_hbm.at[wid], a_v)
        pltpu.sync_copy(b_hbm.at[wid], b_v)

        @pl.loop(0, hw // 16)
        def _ilv(g):
            pos = g * 32 + 2 * lax.iota(jnp.int32, 16)
            plsc.store_scatter(idx_v, [pos], a_v[pl.ds(g * 16, 16)])
            plsc.store_scatter(idx_v, [pos + 1], b_v[pl.ds(g * 16, 16)])

        @pl.loop(0, ngrp)
        def _grp(g):
            waits = []
            for k in range(GROUP):
                c = g * GROUP + k
                waits.append(pltpu.async_copy(
                    table_hbm.at[idx_v.at[pl.ds(c * CHUNK, CHUNK)]],
                    rows_v.at[pl.ds(k * CHUNK, CHUNK)],
                    sem))
            for w in waits:
                w.wait()
            pltpu.sync_copy(
                rows_v,
                out_hbm.at[pl.ds(base + g * (GROUP * CHUNK), GROUP * CHUNK)])

    return gather_kernel(ids_a2, ids_b2, table)


def _tc_encode_t(emb2, ego_p, wblk, w2, b2, bz):
    n2, dd = emb2.shape
    d = dd // 2
    hb = bz // 2
    sl = n2 // hb
    reps = bz // PERIOD

    def body(emb_ref, ego_ref, wb_ref, w2_ref, b_ref, out_ref):
        h2 = lax.dot_general(
            wb_ref[...].astype(jnp.bfloat16),
            emb_ref[...].astype(jnp.bfloat16),
            (((0,), (1,)), ((), ())),
            preferred_element_type=jnp.float32)
        slabs = []
        for k in range(2):
            base = lax.dot_general(
                w2_ref[...], ego_ref[k],
                (((0,), (1,)), ((), ())),
                preferred_element_type=jnp.float32,
                precision=lax.Precision.HIGHEST) + b_ref[...]
            addend = jnp.concatenate([base] * reps, axis=1)
            cols = h2[:, k * hb:(k + 1) * hb]
            slab = jnp.concatenate([cols[:d, :], cols[d:, :]], axis=1)
            slabs.append(jnp.maximum(slab + addend, 0.0))
        out_ref[...] = jnp.concatenate(slabs, axis=0)

    return pl.pallas_call(
        body,
        grid=(sl // 2,),
        in_specs=[
            pl.BlockSpec((bz, dd), lambda g: (g, 0)),
            pl.BlockSpec((2, PERIOD, 3), lambda g: (g, 0, 0)),
            pl.BlockSpec(wblk.shape, lambda g: (0, 0)),
            pl.BlockSpec(w2.shape, lambda g: (0, 0)),
            pl.BlockSpec(b2.shape, lambda g: (0, 0)),
        ],
        out_specs=pl.BlockSpec((2 * d, bz), lambda g: (g, 0)),
        out_shape=jax.ShapeDtypeStruct((sl * d, bz), jnp.float32),
    )(emb2, ego_p, wblk, w2, b2)


def kernel(input_ids, ego_info, table, W, b):
    bz, sl = input_ids.shape
    d = table.shape[1]
    hb = bz // 2
    ids_t = input_ids.T.astype(jnp.int32)
    ids_a = _perm_ids(ids_t[:, :hb]).reshape(sl * hb)
    ids_b = _perm_ids(ids_t[:, hb:]).reshape(sl * hb)
    table_r = _tc_repack(table.T)
    table_rm = table_r.reshape(2 * table_r.shape[0], d)
    emb = _sc_gather2(ids_a, ids_b, table_rm)
    emb2 = emb.reshape(bz * sl // 2, 2 * d)
    w1 = W[:d]
    w2 = W[d:]
    b2 = b.reshape(d, 1)
    wblk = (jnp.zeros((2 * d, 2 * d), jnp.float32)
            .at[:d, :d].set(w1).at[d:, d:].set(w1))
    reps = (PERIOD * sl) // bz
    ego_p = jnp.tile(ego_info, (reps, 1)).reshape(PERIOD, sl, 3)
    ego_p = ego_p.transpose(1, 0, 2)
    out_t = _tc_encode_t(emb2, ego_p, wblk, w2, b2, bz)
    return out_t.reshape(sl, d, bz).transpose(2, 0, 1)

# --- scband reference (transcript-rebuilt; emitter-appended) ---
"""Pipeline reference for scband-trajectory-generator-4483945857620 (READ-ONLY COPY).

The authoritative reference and input builder live on the scoring server;
editing this copy changes nothing except your own understanding.
"""

import jax, jax.numpy as jnp
import numpy as np

TOKEN_NUMS = 1000000
EMBED_DIM = 64
BZ = 4096
SL = 200

def setup_inputs(seed: int = 0) -> dict:
    key = jax.random.key(seed)
    k1, k2, k3, k4 = jax.random.split(key, 4)
    input_ids = jax.random.randint(k1, (BZ, SL), 0, TOKEN_NUMS, dtype=jnp.int64 if jax.config.jax_enable_x64 else jnp.int32)
    ego_info = jax.random.normal(k2, (BZ, 3), dtype=jnp.float32)
    # learned params: embedding table (token_nums + 2 rows) and SelfStateEncoder MLP
    table = jax.random.normal(k3, (TOKEN_NUMS + 2, EMBED_DIM), dtype=jnp.float32) * 0.02
    W = jax.random.normal(k4, (EMBED_DIM + 3, EMBED_DIM), dtype=jnp.float32) * (1.0 / np.sqrt(EMBED_DIM + 3))
    b = jnp.zeros((EMBED_DIM,), dtype=jnp.float32)
    return {"input_ids": input_ids, "ego_info": ego_info, "table": table, "W": W, "b": b}

def reference(input_ids, ego_info, table, W, b):
    # Faithful translation of TrajectoryGenerator.encode_self_state (the only
    # runnable path of forward; forward itself raises NotImplementedError).
    bz, sl = input_ids.shape
    ids = input_ids.reshape(bz * sl)
    # token embedding lookup -> gather
    input_embedding = jnp.take(table, ids, axis=0)
    # ego_info.repeat(sl, 1) in torch == tile along dim 0
    ego = jnp.tile(ego_info, (sl, 1))
    # SelfStateEncoder(embedding_dim, 3): fuse token embedding with 3-dim ego state
    h = jnp.concatenate([input_embedding, ego], axis=-1)
    self_state = jax.nn.relu(h @ W + b)
    return self_state.reshape(bz, sl, -1)

if __name__ == "__main__":
    import jax
    _d = setup_inputs()
    print(jax.jit(kernel)(*tuple(_d.values())))

</pallas_src>

<mosaic_0001>
#map = affine_map<(d0, d1) -> (0, 0)>
module attributes {stable_mosaic.version = 14 : i64} {
  func.func @gather_kernel(%arg0: i32, %arg1: i32, %arg2: memref<32x12800xi32, #tpu.memory_space<hbm>>, %arg3: memref<32x12800xi32, #tpu.memory_space<hbm>>, %arg4: memref<1015808x64xf32, #tpu.memory_space<hbm>>, %arg5: memref<819200x64xf32, #tpu.memory_space<hbm>>, %arg6: memref<12800xi32, #tpu.memory_space<vmem>>, %arg7: memref<12800xi32, #tpu.memory_space<vmem>>, %arg8: memref<25600xi32, #tpu.memory_space<vmem>>, %arg9: memref<1024x64xf32, #tpu.memory_space<vmem>>, %arg10: memref<!tpu.dma_semaphore, #tpu.memory_space<semaphore_mem>>) attributes {dimension_semantics = [#tpu.dimension_semantics<core_parallel>, #tpu.dimension_semantics<subcore_parallel>], iteration_bounds = array<i64: 2, 16>, scalar_prefetch = 0 : i64, scratch_operands = 5 : i64, tpu.core_type = #tpu.core_type<sc_vector_subcore>, window_params = [{transform_indices = #map}, {transform_indices = #map}, {transform_indices = #map}, {transform_indices = #map}]} {
    %mul3A = arith.constant 2 : i32
    %mul3A_0 = arith.muli %arg1, %mul3A : i32
    %add3A = arith.addi %mul3A_0, %arg0 : i32
    %mul3A_1 = arith.constant 25600 : i32
    %mul3A_2 = arith.muli %add3A, %mul3A_1 : i32
    "tpu.region"() ({
      %run_scoped3A = tpu.sem_alloc : memref<!tpu.dma_semaphore, #tpu.memory_space<semaphore_mem>>
      %dma_start3A = arith.constant 0 : i32
      %dma_start3A_12 = tpu.memref_slice %arg2[%add3A, %dma_start3A] : memref<32x12800xi32, #tpu.memory_space<hbm>> -> memref<1x12800xi32, #tpu.memory_space<hbm>>
      %dma_start3A_13 = tpu.memref_squeeze %dma_start3A_12 : memref<1x12800xi32, #tpu.memory_space<hbm>> -> memref<12800xi32, #tpu.memory_space<hbm>>
      %dma_start3A_14 = arith.constant 0 : i32
      %dma_start3A_15 = tpu.memref_slice %arg2[%add3A, %dma_start3A_14] : memref<32x12800xi32, #tpu.memory_space<hbm>> -> memref<1x12800xi32, #tpu.memory_space<hbm>>
      %dma_start3A_16 = tpu.memref_squeeze %dma_start3A_15 : memref<1x12800xi32, #tpu.memory_space<hbm>> -> memref<12800xi32, #tpu.memory_space<hbm>>
      tpu.enqueue_dma source(%dma_start3A_16 : memref<12800xi32, #tpu.memory_space<hbm>>) target(%arg6 : memref<12800xi32, #tpu.memory_space<vmem>>) target_semaphore(%run_scoped3A : memref<!tpu.dma_semaphore, #tpu.memory_space<semaphore_mem>>)
      %dma_wait3A = arith.constant 0 : i32
      %dma_wait3A_17 = tpu.memref_slice %arg2[%add3A, %dma_wait3A] : memref<32x12800xi32, #tpu.memory_space<hbm>> -> memref<1x12800xi32, #tpu.memory_space<hbm>>
      %dma_wait3A_18 = tpu.memref_squeeze %dma_wait3A_17 : memref<1x12800xi32, #tpu.memory_space<hbm>> -> memref<12800xi32, #tpu.memory_space<hbm>>
      %dma_wait3A_19 = arith.constant 0 : i32
      %dma_wait3A_20 = tpu.memref_slice %arg2[%add3A, %dma_wait3A_19] : memref<32x12800xi32, #tpu.memory_space<hbm>> -> memref<1x12800xi32, #tpu.memory_space<hbm>>
      %dma_wait3A_21 = tpu.memref_squeeze %dma_wait3A_20 : memref<1x12800xi32, #tpu.memory_space<hbm>> -> memref<12800xi32, #tpu.memory_space<hbm>>
      tpu.wait_dma2 semaphore(%run_scoped3A : memref<!tpu.dma_semaphore, #tpu.memory_space<semaphore_mem>>) src(%dma_wait3A_21 : memref<12800xi32, #tpu.memory_space<hbm>>) dst(%arg6 : memref<12800xi32, #tpu.memory_space<vmem>>)
      tpu.yield
    }) : () -> ()
    "tpu.region"() ({
      %run_scoped3A = tpu.sem_alloc : memref<!tpu.dma_semaphore, #tpu.memory_space<semaphore_mem>>
      %dma_start3A = arith.constant 0 : i32
      %dma_start3A_12 = tpu.memref_slice %arg3[%add3A, %dma_start3A] : memref<32x12800xi32, #tpu.memory_space<hbm>> -> memref<1x12800xi32, #tpu.memory_space<hbm>>
      %dma_start3A_13 = tpu.memref_squeeze %dma_start3A_12 : memref<1x12800xi32, #tpu.memory_space<hbm>> -> memref<12800xi32, #tpu.memory_space<hbm>>
      %dma_start3A_14 = arith.constant 0 : i32
      %dma_start3A_15 = tpu.memref_slice %arg3[%add3A, %dma_start3A_14] : memref<32x12800xi32, #tpu.memory_space<hbm>> -> memref<1x12800xi32, #tpu.memory_space<hbm>>
      %dma_start3A_16 = tpu.memref_squeeze %dma_start3A_15 : memref<1x12800xi32, #tpu.memory_space<hbm>> -> memref<12800xi32, #tpu.memory_space<hbm>>
      tpu.enqueue_dma source(%dma_start3A_16 : memref<12800xi32, #tpu.memory_space<hbm>>) target(%arg7 : memref<12800xi32, #tpu.memory_space<vmem>>) target_semaphore(%run_scoped3A : memref<!tpu.dma_semaphore, #tpu.memory_space<semaphore_mem>>)
      %dma_wait3A = arith.constant 0 : i32
      %dma_wait3A_17 = tpu.memref_slice %arg3[%add3A, %dma_wait3A] : memref<32x12800xi32, #tpu.memory_space<hbm>> -> memref<1x12800xi32, #tpu.memory_space<hbm>>
      %dma_wait3A_18 = tpu.memref_squeeze %dma_wait3A_17 : memref<1x12800xi32, #tpu.memory_space<hbm>> -> memref<12800xi32, #tpu.memory_space<hbm>>
      %dma_wait3A_19 = arith.constant 0 : i32
      %dma_wait3A_20 = tpu.memref_slice %arg3[%add3A, %dma_wait3A_19] : memref<32x12800xi32, #tpu.memory_space<hbm>> -> memref<1x12800xi32, #tpu.memory_space<hbm>>
      %dma_wait3A_21 = tpu.memref_squeeze %dma_wait3A_20 : memref<1x12800xi32, #tpu.memory_space<hbm>> -> memref<12800xi32, #tpu.memory_space<hbm>>
      tpu.wait_dma2 semaphore(%run_scoped3A : memref<!tpu.dma_semaphore, #tpu.memory_space<semaphore_mem>>) src(%dma_wait3A_21 : memref<12800xi32, #tpu.memory_space<hbm>>) dst(%arg7 : memref<12800xi32, #tpu.memory_space<vmem>>)
      tpu.yield
    }) : () -> ()
    %scan3A = arith.constant 0 : i32
    %scan3A_3 = arith.constant 800 : i32
    %scan3A_4 = arith.addi %scan3A, %scan3A_3 : i32
    %scan3A_5 = arith.constant 1 : i32
    scf.for %scan3A_12 = %scan3A to %scan3A_4 step %scan3A_5  : i32 {
      %mul3A_13 = arith.constant 1 : i32
      %mul3A_14 = arith.muli %scan3A_12, %mul3A_13 : i32
      %add3A_15 = arith.constant 0 : i32
      %add3A_16 = arith.addi %add3A_15, %mul3A_14 : i32
      %mul3A_17 = arith.constant 32 : i32
      %mul3A_18 = arith.muli %add3A_16, %mul3A_17 : i32
      %iota3A = tpu.iota {dimensions = array<i32: 0>} : vector<16xi32>
      %mul3A_19 = arith.constant 2 : i32
      %mul3A_20 = vector.broadcast %mul3A_19 : i32 to vector<16xi32>
      %mul3A_21 = arith.muli %mul3A_20, %iota3A : vector<16xi32>
      %add3A_22 = vector.broadcast %mul3A_18 : i32 to vector<16xi32>
      %add3A_23 = arith.addi %add3A_22, %mul3A_21 : vector<16xi32>
      %mul3A_24 = arith.constant 16 : i32
      %mul3A_25 = arith.muli %add3A_16, %mul3A_24 : i32
      %get3A = arith.index_cast %mul3A_25 : i32 to index
      %get3A_26 = tpu.vector_load %arg6[%get3A] {strides = array<i32>} : memref<12800xi32, #tpu.memory_space<vmem>>, vector<16xi32>,
      tpu.vector_store_idx %arg8[%add3A_23], %get3A_26 : memref<25600xi32, #tpu.memory_space<vmem>>[vector<16xi32>], vector<16xi32>,
      %add3A_27 = arith.constant 1 : i32
      %add3A_28 = vector.broadcast %add3A_27 : i32 to vector<16xi32>
      %add3A_29 = arith.addi %add3A_23, %add3A_28 : vector<16xi32>
      %mul3A_30 = arith.constant 16 : i32
      %mul3A_31 = arith.muli %add3A_16, %mul3A_30 : i32
      %get3A_32 = arith.index_cast %mul3A_31 : i32 to index
      %get3A_33 = tpu.vector_load %arg7[%get3A_32] {strides = array<i32>} : memref<12800xi32, #tpu.memory_space<vmem>>, vector<16xi32>,
      tpu.vector_store_idx %arg8[%add3A_29], %get3A_33 : memref<25600xi32, #tpu.memory_space<vmem>>[vector<16xi32>], vector<16xi32>,
    }
    %scan3A_6 = arith.constant 800 : i32
    %scan3A_7 = arith.constant 0 : i32
    %scan3A_8 = arith.constant 25 : i32
    %scan3A_9 = arith.addi %scan3A_7, %scan3A_8 : i32
    %scan3A_10 = arith.constant 1 : i32
    scf.for %scan3A_12 = %scan3A_7 to %scan3A_9 step %scan3A_10  : i32 {
      %mul3A_13 = arith.constant 1 : i32
      %mul3A_14 = arith.muli %scan3A_12, %mul3A_13 : i32
      %add3A_15 = arith.constant 0 : i32
      %add3A_16 = arith.addi %add3A_15, %mul3A_14 : i32
      %mul3A_17 = arith.constant 8 : i32
      %mul3A_18 = arith.muli %add3A_16, %mul3A_17 : i32
      %add3A_19 = arith.constant 0 : i32
      %add3A_20 = arith.addi %mul3A_18, %add3A_19 : i32
      %mul3A_21 = arith.constant 128 : i32
      %mul3A_22 = arith.muli %add3A_20, %mul3A_21 : i32
      %dma_start3A = arith.constant 0 : i32
      %dma_start3A_23 = arith.constant 0 : i32
      %dma_start3A_24 = tpu.memref_slice %arg9[%dma_start3A, %dma_start3A_23] : memref<1024x64xf32, #tpu.memory_space<vmem>> -> memref<128x64xf32, #tpu.memory_space<vmem>>
      %dma_start3A_25 = tpu.memref_slice %arg8[%mul3A_22] : memref<25600xi32, #tpu.memory_space<vmem>> -> memref<128xi32, #tpu.memory_space<vmem>>
      %dma_start3A_26 = arith.constant 0 : i32
      %dma_start3A_27 = arith.constant 0 : i32
      %dma_start3A_28 = tpu.memref_slice %arg4[%dma_start3A_26, %dma_start3A_27] : memref<1015808x64xf32, #tpu.memory_space<hbm>> -> memref<1015808x64xf32, #tpu.memory_space<hbm>>
      tpu.enqueue_indirect_dma source(%dma_start3A_28 : memref<1015808x64xf32, #tpu.memory_space<hbm>>) target(%dma_start3A_24 : memref<128x64xf32, #tpu.memory_space<vmem>>) offsets(%dma_start3A_25 : memref<128xi32, #tpu.memory_space<vmem>>) semaphore(%arg10 : memref<!tpu.dma_semaphore, #tpu.memory_space<semaphore_mem>>)
      %mul3A_29 = arith.constant 8 : i32
      %mul3A_30 = arith.muli %add3A_16, %mul3A_29 : i32
      %add3A_31 = arith.constant 1 : i32
      %add3A_32 = arith.addi %mul3A_30, %add3A_31 : i32
      %mul3A_33 = arith.constant 128 : i32
      %mul3A_34 = arith.muli %add3A_32, %mul3A_33 : i32
      %dma_start3A_35 = arith.constant 128 : i32
      %dma_start3A_36 = arith.constant 0 : i32
      %dma_start3A_37 = tpu.memref_slice %arg9[%dma_start3A_35, %dma_start3A_36] : memref<1024x64xf32, #tpu.memory_space<vmem>> -> memref<128x64xf32, #tpu.memory_space<vmem>>
      %dma_start3A_38 = tpu.memref_slice %arg8[%mul3A_34] : memref<25600xi32, #tpu.memory_space<vmem>> -> memref<128xi32, #tpu.memory_space<vmem>>
      %dma_start3A_39 = arith.constant 0 : i32
      %dma_start3A_40 = arith.constant 0 : i32
      %dma_start3A_41 = tpu.memref_slice %arg4[%dma_start3A_39, %dma_start3A_40] : memref<1015808x64xf32, #tpu.memory_space<hbm>> -> memref<1015808x64xf32, #tpu.memory_space<hbm>>
      tpu.enqueue_indirect_dma source(%dma_start3A_41 : memref<1015808x64xf32, #tpu.memory_space<hbm>>) target(%dma_start3A_37 : memref<128x64xf32, #tpu.memory_space<vmem>>) offsets(%dma_start3A_38 : memref<128xi32, #tpu.memory_space<vmem>>) semaphore(%arg10 : memref<!tpu.dma_semaphore, #tpu.memory_space<semaphore_mem>>)
      %mul3A_42 = arith.constant 8 : i32
      %mul3A_43 = arith.muli %add3A_16, %mul3A_42 : i32
      %add3A_44 = arith.constant 2 : i32
      %add3A_45 = arith.addi %mul3A_43, %add3A_44 : i32
      %mul3A_46 = arith.constant 128 : i32
      %mul3A_47 = arith.muli %add3A_45, %mul3A_46 : i32
      %dma_start3A_48 = arith.constant 256 : i32
      %dma_start3A_49 = arith.constant 0 : i32
      %dma_start3A_50 = tpu.memref_slice %arg9[%dma_start3A_48, %dma_start3A_49] : memref<1024x64xf32, #tpu.memory_space<vmem>> -> memref<128x64xf32, #tpu.memory_space<vmem>>
      %dma_start3A_51 = tpu.memref_slice %arg8[%mul3A_47] : memref<25600xi32, #tpu.memory_space<vmem>> -> memref<128xi32, #tpu.memory_space<vmem>>
      %dma_start3A_52 = arith.constant 0 : i32
      %dma_start3A_53 = arith.constant 0 : i32
      %dma_start3A_54 = tpu.memref_slice %arg4[%dma_start3A_52, %dma_start3A_53] : memref<1015808x64xf32, #tpu.memory_space<hbm>> -> memref<1015808x64xf32, #tpu.memory_space<hbm>>
      tpu.enqueue_indirect_dma source(%dma_start3A_54 : memref<1015808x64xf32, #tpu.memory_space<hbm>>) target(%dma_start3A_50 : memref<128x64xf32, #tpu.memory_space<vmem>>) offsets(%dma_start3A_51 : memref<128xi32, #tpu.memory_space<vmem>>) semaphore(%arg10 : memref<!tpu.dma_semaphore, #tpu.memory_space<semaphore_mem>>)
      %mul3A_55 = arith.constant 8 : i32
      %mul3A_56 = arith.muli %add3A_16, %mul3A_55 : i32
      %add3A_57 = arith.constant 3 : i32
      %add3A_58 = arith.addi %mul3A_56, %add3A_57 : i32
      %mul3A_59 = arith.constant 128 : i32
      %mul3A_60 = arith.muli %add3A_58, %mul3A_59 : i32
      %dma_start3A_61 = arith.constant 384 : i32
      %dma_start3A_62 = arith.constant 0 : i32
      %dma_start3A_63 = tpu.memref_slice %arg9[%dma_start3A_61, %dma_start3A_62] : memref<1024x64xf32, #tpu.memory_space<vmem>> -> memref<128x64xf32, #tpu.memory_space<vmem>>
      %dma_start3A_64 = tpu.memref_slice %arg8[%mul3A_60] : memref<25600xi32, #tpu.memory_space<vmem>> -> memref<128xi32, #tpu.memory_space<vmem>>
      %dma_start3A_65 = arith.constant 0 : i32
      %dma_start3A_66 = arith.constant 0 : i32
      %dma_start3A_67 = tpu.memref_slice %arg4[%dma_start3A_65, %dma_start3A_66] : memref<1015808x64xf32, #tpu.memory_space<hbm>> -> memref<1015808x64xf32, #tpu.memory_space<hbm>>
      tpu.enqueue_indirect_dma source(%dma_start3A_67 : memref<1015808x64xf32, #tpu.memory_space<hbm>>) target(%dma_start3A_63 : memref<128x64xf32, #tpu.memory_space<vmem>>) offsets(%dma_start3A_64 : memref<128xi32, #tpu.memory_space<vmem>>) semaphore(%arg10 : memref<!tpu.dma_semaphore, #tpu.memory_space<semaphore_mem>>)
      %mul3A_68 = arith.constant 8 : i32
      %mul3A_69 = arith.muli %add3A_16, %mul3A_68 : i32
      %add3A_70 = arith.constant 4 : i32
      %add3A_71 = arith.addi %mul3A_69, %add3A_70 : i32
      %mul3A_72 = arith.constant 128 : i32
      %mul3A_73 = arith.muli %add3A_71, %mul3A_72 : i32
      %dma_start3A_74 = arith.constant 512 : i32
      %dma_start3A_75 = arith.constant 0 : i32
      %dma_start3A_76 = tpu.memref_slice %arg9[%dma_start3A_74, %dma_start3A_75] : memref<1024x64xf32, #tpu.memory_space<vmem>> -> memref<128x64xf32, #tpu.memory_space<vmem>>
      %dma_start3A_77 = tpu.memref_slice %arg8[%mul3A_73] : memref<25600xi32, #tpu.memory_space<vmem>> -> memref<128xi32, #tpu.memory_space<vmem>>
      %dma_start3A_78 = arith.constant 0 : i32
      %dma_start3A_79 = arith.constant 0 : i32
      %dma_start3A_80 = tpu.memref_slice %arg4[%dma_start3A_78, %dma_start3A_79] : memref<1015808x64xf32, #tpu.memory_space<hbm>> -> memref<1015808x64xf32, #tpu.memory_space<hbm>>
      tpu.enqueue_indirect_dma source(%dma_start3A_80 : memref<1015808x64xf32, #tpu.memory_space<hbm>>) target(%dma_start3A_76 : memref<128x64xf32, #tpu.memory_space<vmem>>) offsets(%dma_start3A_77 : memref<128xi32, #tpu.memory_space<vmem>>) semaphore(%arg10 : memref<!tpu.dma_semaphore, #tpu.memory_space<semaphore_mem>>)
      %mul3A_81 = arith.constant 8 : i32
      %mul3A_82 = arith.muli %add3A_16, %mul3A_81 : i32
      %add3A_83 = arith.constant 5 : i32
      %add3A_84 = arith.addi %mul3A_82, %add3A_83 : i32
      %mul3A_85 = arith.constant 128 : i32
      %mul3A_86 = arith.muli %add3A_84, %mul3A_85 : i32
      %dma_start3A_87 = arith.constant 640 : i32
      %dma_start3A_88 = arith.constant 0 : i32
      %dma_start3A_89 = tpu.memref_slice %arg9[%dma_start3A_87, %dma_start3A_88] : memref<1024x64xf32, #tpu.memory_space<vmem>> -> memref<128x64xf32, #tpu.memory_space<vmem>>
      %dma_start3A_90 = tpu.memref_slice %arg8[%mul3A_86] : memref<25600xi32, #tpu.memory_space<vmem>> -> memref<128xi32, #tpu.memory_space<vmem>>
      %dma_start3A_91 = arith.constant 0 : i32
      %dma_start3A_92 = arith.constant 0 : i32
      %dma_start3A_93 = tpu.memref_slice %arg4[%dma_start3A_91, %dma_start3A_92] : memref<1015808x64xf32, #tpu.memory_space<hbm>> -> memref<1015808x64xf32, #tpu.memory_space<hbm>>
      tpu.enqueue_indirect_dma source(%dma_start3A_93 : memref<1015808x64xf32, #tpu.memory_space<hbm>>) target(%dma_start3A_89 : memref<128x64xf32, #tpu.memory_space<vmem>>) offsets(%dma_start3A_90 : memref<128xi32, #tpu.memory_space<vmem>>) semaphore(%arg10 : memref<!tpu.dma_semaphore, #tpu.memory_space<semaphore_mem>>)
      %mul3A_94 = arith.constant 8 : i32
      %mul3A_95 = arith.muli %add3A_16, %mul3A_94 : i32
      %add3A_96 = arith.constant 6 : i32
      %add3A_97 = arith.addi %mul3A_95, %add3A_96 : i32
      %mul3A_98 = arith.constant 128 : i32
      %mul3A_99 = arith.muli %add3A_97, %mul3A_98 : i32
      %dma_start3A_100 = arith.constant 768 : i32
      %dma_start3A_101 = arith.constant 0 : i32
      %dma_start3A_102 = tpu.memref_slice %arg9[%dma_start3A_100, %dma_start3A_101] : memref<1024x64xf32, #tpu.memory_space<vmem>> -> memref<128x64xf32, #tpu.memory_space<vmem>>
      %dma_start3A_103 = tpu.memref_slice %arg8[%mul3A_99] : memref<25600xi32, #tpu.memory_space<vmem>> -> memref<128xi32, #tpu.memory_space<vmem>>
      %dma_start3A_104 = arith.constant 0 : i32
      %dma_start3A_105 = arith.constant 0 : i32
      %dma_start3A_106 = tpu.memref_slice %arg4[%dma_start3A_104, %dma_start3A_105] : memref<1015808x64xf32, #tpu.memory_space<hbm>> -> memref<1015808x64xf32, #tpu.memory_space<hbm>>
      tpu.enqueue_indirect_dma source(%dma_start3A_106 : memref<1015808x64xf32, #tpu.memory_space<hbm>>) target(%dma_start3A_102 : memref<128x64xf32, #tpu.memory_space<vmem>>) offsets(%dma_start3A_103 : memref<128xi32, #tpu.memory_space<vmem>>) semaphore(%arg10 : memref<!tpu.dma_semaphore, #tpu.memory_space<semaphore_mem>>)
      %mul3A_107 = arith.constant 8 : i32
      %mul3A_108 = arith.muli %add3A_16, %mul3A_107 : i32
      %add3A_109 = arith.constant 7 : i32
      %add3A_110 = arith.addi %mul3A_108, %add3A_109 : i32
      %mul3A_111 = arith.constant 128 : i32
      %mul3A_112 = arith.muli %add3A_110, %mul3A_111 : i32
      %dma_start3A_113 = arith.constant 896 : i32
      %dma_start3A_114 = arith.constant 0 : i32
      %dma_start3A_115 = tpu.memref_slice %arg9[%dma_start3A_113, %dma_start3A_114] : memref<1024x64xf32, #tpu.memory_space<vmem>> -> memref<128x64xf32, #tpu.memory_space<vmem>>
      %dma_start3A_116 = tpu.memref_slice %arg8[%mul3A_112] : memref<25600xi32, #tpu.memory_space<vmem>> -> memref<128xi32, #tpu.memory_space<vmem>>
      %dma_start3A_117 = arith.constant 0 : i32
      %dma_start3A_118 = arith.constant 0 : i32
      %dma_start3A_119 = tpu.memref_slice %arg4[%dma_start3A_117, %dma_start3A_118] : memref<1015808x64xf32, #tpu.memory_space<hbm>> -> memref<1015808x64xf32, #tpu.memory_space<hbm>>
      tpu.enqueue_indirect_dma source(%dma_start3A_119 : memref<1015808x64xf32, #tpu.memory_space<hbm>>) target(%dma_start3A_115 : memref<128x64xf32, #tpu.memory_space<vmem>>) offsets(%dma_start3A_116 : memref<128xi32, #tpu.memory_space<vmem>>) semaphore(%arg10 : memref<!tpu.dma_semaphore, #tpu.memory_space<semaphore_mem>>)
      %dma_wait3A = arith.constant 0 : i32
      %dma_wait3A_120 = arith.constant 0 : i32
      %dma_wait3A_121 = tpu.memref_slice %arg9[%dma_wait3A, %dma_wait3A_120] : memref<1024x64xf32, #tpu.memory_space<vmem>> -> memref<128x64xf32, #tpu.memory_space<vmem>>
      %dma_wait3A_122 = tpu.memref_slice %arg8[%mul3A_22] : memref<25600xi32, #tpu.memory_space<vmem>> -> memref<128xi32, #tpu.memory_space<vmem>>
      %dma_wait3A_123 = arith.constant 0 : i32
      %dma_wait3A_124 = arith.constant 0 : i32
      %dma_wait3A_125 = tpu.memref_slice %arg4[%dma_wait3A_123, %dma_wait3A_124] : memref<1015808x64xf32, #tpu.memory_space<hbm>> -> memref<1015808x64xf32, #tpu.memory_space<hbm>>
      tpu.wait_indirect_dma semaphore(%arg10 : memref<!tpu.dma_semaphore, #tpu.memory_space<semaphore_mem>>) src(%dma_wait3A_125 : memref<1015808x64xf32, #tpu.memory_space<hbm>>) dst(%dma_wait3A_121 : memref<128x64xf32, #tpu.memory_space<vmem>>)
      %dma_wait3A_126 = arith.constant 128 : i32
      %dma_wait3A_127 = arith.constant 0 : i32
      %dma_wait3A_128 = tpu.memref_slice %arg9[%dma_wait3A_126, %dma_wait3A_127] : memref<1024x64xf32, #tpu.memory_space<vmem>> -> memref<128x64xf32, #tpu.memory_space<vmem>>
      %dma_wait3A_129 = tpu.memref_slice %arg8[%mul3A_34] : memref<25600xi32, #tpu.memory_space<vmem>> -> memref<128xi32, #tpu.memory_space<vmem>>
      %dma_wait3A_130 = arith.constant 0 : i32
      %dma_wait3A_131 = arith.constant 0 : i32
      %dma_wait3A_132 = tpu.memref_slice %arg4[%dma_wait3A_130, %dma_wait3A_131] : memref<1015808x64xf32, #tpu.memory_space<hbm>> -> memref<1015808x64xf32, #tpu.memory_space<hbm>>
      tpu.wait_indirect_dma semaphore(%arg10 : memref<!tpu.dma_semaphore, #tpu.memory_space<semaphore_mem>>) src(%dma_wait3A_132 : memref<1015808x64xf32, #tpu.memory_space<hbm>>) dst(%dma_wait3A_128 : memref<128x64xf32, #tpu.memory_space<vmem>>)
      %dma_wait3A_133 = arith.constant 256 : i32
      %dma_wait3A_134 = arith.constant 0 : i32
      %dma_wait3A_135 = tpu.memref_slice %arg9[%dma_wait3A_133, %dma_wait3A_134] : memref<1024x64xf32, #tpu.memory_space<vmem>> -> memref<128x64xf32, #tpu.memory_space<vmem>>
      %dma_wait3A_136 = tpu.memref_slice %arg8[%mul3A_47] : memref<25600xi32, #tpu.memory_space<vmem>> -> memref<128xi32, #tpu.memory_space<vmem>>
      %dma_wait3A_137 = arith.constant 0 : i32
      %dma_wait3A_138 = arith.constant 0 : i32
      %dma_wait3A_139 = tpu.memref_slice %arg4[%dma_wait3A_137, %dma_wait3A_138] : memref<1015808x64xf32, #tpu.memory_space<hbm>> -> memref<1015808x64xf32, #tpu.memory_space<hbm>>
      tpu.wait_indirect_dma semaphore(%arg10 : memref<!tpu.dma_semaphore, #tpu.memory_space<semaphore_mem>>) src(%dma_wait3A_139 : memref<1015808x64xf32, #tpu.memory_space<hbm>>) dst(%dma_wait3A_135 : memref<128x64xf32, #tpu.memory_space<vmem>>)
      %dma_wait3A_140 = arith.constant 384 : i32
      %dma_wait3A_141 = arith.constant 0 : i32
      %dma_wait3A_142 = tpu.memref_slice %arg9[%dma_wait3A_140, %dma_wait3A_141] : memref<1024x64xf32, #tpu.memory_space<vmem>> -> memref<128x64xf32, #tpu.memory_space<vmem>>
      %dma_wait3A_143 = tpu.memref_slice %arg8[%mul3A_60] : memref<25600xi32, #tpu.memory_space<vmem>> -> memref<128xi32, #tpu.memory_space<vmem>>
      %dma_wait3A_144 = arith.constant 0 : i32
      %dma_wait3A_145 = arith.constant 0 : i32
      %dma_wait3A_146 = tpu.memref_slice %arg4[%dma_wait3A_144, %dma_wait3A_145] : memref<1015808x64xf32, #tpu.memory_space<hbm>> -> memref<1015808x64xf32, #tpu.memory_space<hbm>>
      tpu.wait_indirect_dma semaphore(%arg10 : memref<!tpu.dma_semaphore, #tpu.memory_space<semaphore_mem>>) src(%dma_wait3A_146 : memref<1015808x64xf32, #tpu.memory_space<hbm>>) dst(%dma_wait3A_142 : memref<128x64xf32, #tpu.memory_space<vmem>>)
      %dma_wait3A_147 = arith.constant 512 : i32
      %dma_wait3A_148 = arith.constant 0 : i32
      %dma_wait3A_149 = tpu.memref_slice %arg9[%dma_wait3A_147, %dma_wait3A_148] : memref<1024x64xf32, #tpu.memory_space<vmem>> -> memref<128x64xf32, #tpu.memory_space<vmem>>
      %dma_wait3A_150 = tpu.memref_slice %arg8[%mul3A_73] : memref<25600xi32, #tpu.memory_space<vmem>> -> memref<128xi32, #tpu.memory_space<vmem>>
      %dma_wait3A_151 = arith.constant 0 : i32
      %dma_wait3A_152 = arith.constant 0 : i32
      %dma_wait3A_153 = tpu.memref_slice %arg4[%dma_wait3A_151, %dma_wait3A_152] : memref<1015808x64xf32, #tpu.memory_space<hbm>> -> memref<1015808x64xf32, #tpu.memory_space<hbm>>
      tpu.wait_indirect_dma semaphore(%arg10 : memref<!tpu.dma_semaphore, #tpu.memory_space<semaphore_mem>>) src(%dma_wait3A_153 : memref<1015808x64xf32, #tpu.memory_space<hbm>>) dst(%dma_wait3A_149 : memref<128x64xf32, #tpu.memory_space<vmem>>)
      %dma_wait3A_154 = arith.constant 640 : i32
      %dma_wait3A_155 = arith.constant 0 : i32
      %dma_wait3A_156 = tpu.memref_slice %arg9[%dma_wait3A_154, %dma_wait3A_155] : memref<1024x64xf32, #tpu.memory_space<vmem>> -> memref<128x64xf32, #tpu.memory_space<vmem>>
      %dma_wait3A_157 = tpu.memref_slice %arg8[%mul3A_86] : memref<25600xi32, #tpu.memory_space<vmem>> -> memref<128xi32, #tpu.memory_space<vmem>>
      %dma_wait3A_158 = arith.constant 0 : i32
      %dma_wait3A_159 = arith.constant 0 : i32
      %dma_wait3A_160 = tpu.memref_slice %arg4[%dma_wait3A_158, %dma_wait3A_159] : memref<1015808x64xf32, #tpu.memory_space<hbm>> -> memref<1015808x64xf32, #tpu.memory_space<hbm>>
      tpu.wait_indirect_dma semaphore(%arg10 : memref<!tpu.dma_semaphore, #tpu.memory_space<semaphore_mem>>) src(%dma_wait3A_160 : memref<1015808x64xf32, #tpu.memory_space<hbm>>) dst(%dma_wait3A_156 : memref<128x64xf32, #tpu.memory_space<vmem>>)
      %dma_wait3A_161 = arith.constant 768 : i32
      %dma_wait3A_162 = arith.constant 0 : i32
      %dma_wait3A_163 = tpu.memref_slice %arg9[%dma_wait3A_161, %dma_wait3A_162] : memref<1024x64xf32, #tpu.memory_space<vmem>> -> memref<128x64xf32, #tpu.memory_space<vmem>>
      %dma_wait3A_164 = tpu.memref_slice %arg8[%mul3A_99] : memref<25600xi32, #tpu.memory_space<vmem>> -> memref<128xi32, #tpu.memory_space<vmem>>
      %dma_wait3A_165 = arith.constant 0 : i32
      %dma_wait3A_166 = arith.constant 0 : i32
      %dma_wait3A_167 = tpu.memref_slice %arg4[%dma_wait3A_165, %dma_wait3A_166] : memref<1015808x64xf32, #tpu.memory_space<hbm>> -> memref<1015808x64xf32, #tpu.memory_space<hbm>>
      tpu.wait_indirect_dma semaphore(%arg10 : memref<!tpu.dma_semaphore, #tpu.memory_space<semaphore_mem>>) src(%dma_wait3A_167 : memref<1015808x64xf32, #tpu.memory_space<hbm>>) dst(%dma_wait3A_163 : memref<128x64xf32, #tpu.memory_space<vmem>>)
      %dma_wait3A_168 = arith.constant 896 : i32
      %dma_wait3A_169 = arith.constant 0 : i32
      %dma_wait3A_170 = tpu.memref_slice %arg9[%dma_wait3A_168, %dma_wait3A_169] : memref<1024x64xf32, #tpu.memory_space<vmem>> -> memref<128x64xf32, #tpu.memory_space<vmem>>
      %dma_wait3A_171 = tpu.memref_slice %arg8[%mul3A_112] : memref<25600xi32, #tpu.memory_space<vmem>> -> memref<128xi32, #tpu.memory_space<vmem>>
      %dma_wait3A_172 = arith.constant 0 : i32
      %dma_wait3A_173 = arith.constant 0 : i32
      %dma_wait3A_174 = tpu.memref_slice %arg4[%dma_wait3A_172, %dma_wait3A_173] : memref<1015808x64xf32, #tpu.memory_space<hbm>> -> memref<1015808x64xf32, #tpu.memory_space<hbm>>
      tpu.wait_indirect_dma semaphore(%arg10 : memref<!tpu.dma_semaphore, #tpu.memory_space<semaphore_mem>>) src(%dma_wait3A_174 : memref<1015808x64xf32, #tpu.memory_space<hbm>>) dst(%dma_wait3A_170 : memref<128x64xf32, #tpu.memory_space<vmem>>)
      %mul3A_175 = arith.constant 1024 : i32
      %mul3A_176 = arith.muli %add3A_16, %mul3A_175 : i32
      %add3A_177 = arith.addi %mul3A_2, %mul3A_176 : i32
      "tpu.region"() ({
        %run_scoped3A = tpu.sem_alloc : memref<!tpu.dma_semaphore, #tpu.memory_space<semaphore_mem>>
        %dma_start3A_178 = arith.constant 0 : i32
        %dma_start3A_179 = tpu.memref_slice %arg5[%add3A_177, %dma_start3A_178] : memref<819200x64xf32, #tpu.memory_space<hbm>> -> memref<1024x64xf32, #tpu.memory_space<hbm>>
        %dma_start3A_180 = arith.constant 0 : i32
        %dma_start3A_181 = tpu.memref_slice %arg5[%add3A_177, %dma_start3A_180] : memref<819200x64xf32, #tpu.memory_space<hbm>> -> memref<1024x64xf32, #tpu.memory_space<hbm>>
        tpu.enqueue_dma source(%arg9 : memref<1024x64xf32, #tpu.memory_space<vmem>>) target(%dma_start3A_181 : memref<1024x64xf32, #tpu.memory_space<hbm>>) target_semaphore(%run_scoped3A : memref<!tpu.dma_semaphore, #tpu.memory_space<semaphore_mem>>)
        %dma_wait3A_182 = arith.constant 0 : i32
        %dma_wait3A_183 = tpu.memref_slice %arg5[%add3A_177, %dma_wait3A_182] : memref<819200x64xf32, #tpu.memory_space<hbm>> -> memref<1024x64xf32, #tpu.memory_space<hbm>>
        %dma_wait3A_184 = arith.constant 0 : i32
        %dma_wait3A_185 = tpu.memref_slice %arg5[%add3A_177, %dma_wait3A_184] : memref<819200x64xf32, #tpu.memory_space<hbm>> -> memref<1024x64xf32, #tpu.memory_space<hbm>>
        tpu.wait_dma2 semaphore(%run_scoped3A : memref<!tpu.dma_semaphore, #tpu.memory_space<semaphore_mem>>) src(%arg9 : memref<1024x64xf32, #tpu.memory_space<vmem>>) dst(%dma_wait3A_185 : memref<1024x64xf32, #tpu.memory_space<hbm>>)
        tpu.yield
      }) : () -> ()
    }
    %scan3A_11 = arith.constant 25 : i32
    return
  }
}

module attributes {stable_mosaic.version = 14 : i64} {
  func.func @body(%arg0: i32, %arg1: memref<64x16384xf32, #tpu.memory_space<vmem>>, %arg2: memref<8192x128xf32, #tpu.memory_space<vmem>>) attributes {dimension_semantics = [#tpu.dimension_semantics<arbitrary>], iteration_bounds = array<i64: 62>, scalar_prefetch = 0 : i64, scratch_operands = 0 : i64, tpu.core_type = #tpu.core_type<tc>, window_params = [{transform_indices = @transform_0, window_bounds = array<i64: 64, 16384>}, {transform_indices = @transform_1, window_bounds = array<i64: 8192, 128>}]} {
    %get3A = arith.constant 0 : index
    %get3A_0 = arith.constant 0 : index
    %get3A_1 = vector.load %arg1[%get3A, %get3A_0] : memref<64x16384xf32, #tpu.memory_space<vmem>>, vector<64x16384xf32>
    %transpose3A = tpu.transpose %get3A_1, [1, 0] : vector<64x16384xf32> -> vector<16384x64xf32>
    %slice3A = vector.extract_strided_slice %transpose3A {offsets = [0, 0], sizes = [8192, 64], strides = [1, 1]} : vector<16384x64xf32> to vector<8192x64xf32>
    %slice3A_2 = vector.extract_strided_slice %transpose3A {offsets = [8192, 0], sizes = [8192, 64], strides = [1, 1]} : vector<16384x64xf32> to vector<8192x64xf32>
    %concatenate3A = tpu.concatenate %slice3A, %slice3A_2 in 1 : vector<8192x64xf32>, vector<8192x64xf32> -> vector<8192x128xf32>
    %swap3A = arith.constant 0 : index
    %swap3A_3 = arith.constant 0 : index
    %swap3A_4 = vector.load %arg2[%swap3A, %swap3A_3] : memref<8192x128xf32, #tpu.memory_space<vmem>>, vector<8192x128xf32>
    tpu.vector_store %arg2[%swap3A, %swap3A_3], %concatenate3A {strides = array<i32>} : memref<8192x128xf32, #tpu.memory_space<vmem>>, vector<8192x128xf32>,
    return
  }
  func.func @transform_0(%arg0: i32) -> (i32, i32) {
    %c0_i32 = arith.constant 0 : i32
    %c0_i32_0 = arith.constant 0 : i32
    return %c0_i32, %arg0 : i32, i32
  }
  func.func @transform_1(%arg0: i32) -> (i32, i32) {
    %c0_i32 = arith.constant 0 : i32
    %c0_i32_0 = arith.constant 0 : i32
    return %arg0, %c0_i32 : i32, i32
  }
}

module attributes {stable_mosaic.version = 14 : i64} {
  func.func @body(%arg0: i32, %arg1: memref<4096x128xf32, #tpu.memory_space<vmem>>, %arg2: memref<2x512x3xf32, #tpu.memory_space<vmem>>, %arg3: memref<128x128xf32, #tpu.memory_space<vmem>>, %arg4: memref<3x64xf32, #tpu.memory_space<vmem>>, %arg5: memref<64x1xf32, #tpu.memory_space<vmem>>, %arg6: memref<128x4096xf32, #tpu.memory_space<vmem>>) attributes {dimension_semantics = [#tpu.dimension_semantics<arbitrary>], iteration_bounds = array<i64: 100>, scalar_prefetch = 0 : i64, scratch_operands = 0 : i64, tpu.core_type = #tpu.core_type<tc>, window_params = [{transform_indices = @transform_0, window_bounds = array<i64: 4096, 128>}, {transform_indices = @transform_1, window_bounds = array<i64: 2, 512, 3>}, {pipeline_mode = #tpu.pipeline_mode<synchronous>, transform_indices = @transform_2, window_bounds = array<i64: 128, 128>}, {pipeline_mode = #tpu.pipeline_mode<synchronous>, transform_indices = @transform_3, window_bounds = array<i64: 3, 64>}, {pipeline_mode = #tpu.pipeline_mode<synchronous>, transform_indices = @transform_4, window_bounds = array<i64: 64, 1>}, {transform_indices = @transform_5, window_bounds = array<i64: 128, 4096>}]} {
    %get3A = arith.constant 0 : index
    %get3A_0 = arith.constant 0 : index
    %get3A_1 = vector.load %arg3[%get3A, %get3A_0] : memref<128x128xf32, #tpu.memory_space<vmem>>, vector<128x128xf32>
    %convert_element_type3A = arith.truncf %get3A_1 : vector<128x128xf32> to vector<128x128xbf16>
    %get3A_2 = arith.constant 0 : index
    %get3A_3 = arith.constant 0 : index
    %get3A_4 = vector.load %arg1[%get3A_2, %get3A_3] : memref<4096x128xf32, #tpu.memory_space<vmem>>, vector<4096x128xf32>
    %convert_element_type3A_5 = arith.truncf %get3A_4 : vector<4096x128xf32> to vector<4096x128xbf16>
    %dot_general3A = arith.constant dense<0.000000e+00> : vector<128x4096xf32>
    %dot_general3A_6 = tpu.matmul %convert_element_type3A, %convert_element_type3A_5, %dot_general3A {dimension_numbers = #tpu.dot_dimension_numbers<[0], [1], [1], [0], [0, 1, 1, 0], [], []>, transpose_lhs_hint = false} : vector<128x128xbf16>, vector<4096x128xbf16>, vector<128x4096xf32> -> vector<128x4096xf32>
    %get3A_7 = arith.constant 0 : index
    %get3A_8 = arith.constant 0 : index
    %get3A_9 = vector.load %arg4[%get3A_7, %get3A_8] : memref<3x64xf32, #tpu.memory_space<vmem>>, vector<3x64xf32>
    %get3A_10 = arith.constant 0 : index
    %get3A_11 = arith.constant 0 : index
    %get3A_12 = arith.constant 0 : index
    %get3A_13 = vector.load %arg2[%get3A_10, %get3A_11, %get3A_12] : memref<2x512x3xf32, #tpu.memory_space<vmem>>, vector<1x512x3xf32>
    %get3A_14 = vector.shape_cast %get3A_13 : vector<1x512x3xf32> to vector<512x3xf32>
    %dot_general3A_15 = arith.constant dense<0.000000e+00> : vector<64x512xf32>
    %dot_general3A_16 = tpu.matmul %get3A_9, %get3A_14, %dot_general3A_15 {dimension_numbers = #tpu.dot_dimension_numbers<[0], [1], [1], [0], [0, 1, 1, 0], [], []>, precision = #tpu.contract_precision<fp32>, transpose_lhs_hint = false} : vector<3x64xf32>, vector<512x3xf32>, vector<64x512xf32> -> vector<64x512xf32>
    %get3A_17 = arith.constant 0 : index
    %get3A_18 = arith.constant 0 : index
    %get3A_19 = vector.load %arg5[%get3A_17, %get3A_18] : memref<64x1xf32, #tpu.memory_space<vmem>>, vector<64x1xf32>
    %add3A = vector.broadcast %get3A_19 : vector<64x1xf32> to vector<64x512xf32>
    %add3A_20 = arith.addf %dot_general3A_16, %add3A : vector<64x512xf32>
    %concatenate3A = tpu.concatenate %add3A_20, %add3A_20, %add3A_20, %add3A_20, %add3A_20, %add3A_20, %add3A_20, %add3A_20 in 1 : vector<64x512xf32>, vector<64x512xf32>, vector<64x512xf32>, vector<64x512xf32>, vector<64x512xf32>, vector<64x512xf32>, vector<64x512xf32>, vector<64x512xf32> -> vector<64x4096xf32>
    %slice3A = vector.extract_strided_slice %dot_general3A_6 {offsets = [0, 0], sizes = [128, 2048], strides = [1, 1]} : vector<128x4096xf32> to vector<128x2048xf32>
    %slice3A_21 = vector.extract_strided_slice %slice3A {offsets = [0, 0], sizes = [64, 2048], strides = [1, 1]} : vector<128x2048xf32> to vector<64x2048xf32>
    %slice3A_22 = vector.extract_strided_slice %slice3A {offsets = [64, 0], sizes = [64, 2048], strides = [1, 1]} : vector<128x2048xf32> to vector<64x2048xf32>
    %concatenate3A_23 = tpu.concatenate %slice3A_21, %slice3A_22 in 1 : vector<64x2048xf32>, vector<64x2048xf32> -> vector<64x4096xf32>
    %add3A_24 = arith.addf %concatenate3A_23, %concatenate3A : vector<64x4096xf32>
    %max3A = arith.constant 0.000000e+00 : f32
    %max3A_25 = vector.broadcast %max3A : f32 to vector<64x4096xf32>
    %max3A_26 = arith.maximumf %add3A_24, %max3A_25 : vector<64x4096xf32>
    %get3A_27 = arith.constant 0 : index
    %get3A_28 = arith.constant 0 : index
    %get3A_29 = vector.load %arg4[%get3A_27, %get3A_28] : memref<3x64xf32, #tpu.memory_space<vmem>>, vector<3x64xf32>
    %get3A_30 = arith.constant 1 : index
    %get3A_31 = arith.constant 0 : index
    %get3A_32 = arith.constant 0 : index
    %get3A_33 = vector.load %arg2[%get3A_30, %get3A_31, %get3A_32] : memref<2x512x3xf32, #tpu.memory_space<vmem>>, vector<1x512x3xf32>
    %get3A_34 = vector.shape_cast %get3A_33 : vector<1x512x3xf32> to vector<512x3xf32>
    %dot_general3A_35 = arith.constant dense<0.000000e+00> : vector<64x512xf32>
    %dot_general3A_36 = tpu.matmul %get3A_29, %get3A_34, %dot_general3A_35 {dimension_numbers = #tpu.dot_dimension_numbers<[0], [1], [1], [0], [0, 1, 1, 0], [], []>, precision = #tpu.contract_precision<fp32>, transpose_lhs_hint = false} : vector<3x64xf32>, vector<512x3xf32>, vector<64x512xf32> -> vector<64x512xf32>
    %get3A_37 = arith.constant 0 : index
    %get3A_38 = arith.constant 0 : index
    %get3A_39 = vector.load %arg5[%get3A_37, %get3A_38] : memref<64x1xf32, #tpu.memory_space<vmem>>, vector<64x1xf32>
    %add3A_40 = vector.broadcast %get3A_39 : vector<64x1xf32> to vector<64x512xf32>
    %add3A_41 = arith.addf %dot_general3A_36, %add3A_40 : vector<64x512xf32>
    %concatenate3A_42 = tpu.concatenate %add3A_41, %add3A_41, %add3A_41, %add3A_41, %add3A_41, %add3A_41, %add3A_41, %add3A_41 in 1 : vector<64x512xf32>, vector<64x512xf32>, vector<64x512xf32>, vector<64x512xf32>, vector<64x512xf32>, vector<64x512xf32>, vector<64x512xf32>, vector<64x512xf32> -> vector<64x4096xf32>
    %slice3A_43 = vector.extract_strided_slice %dot_general3A_6 {offsets = [0, 2048], sizes = [128, 2048], strides = [1, 1]} : vector<128x4096xf32> to vector<128x2048xf32>
    %slice3A_44 = vector.extract_strided_slice %slice3A_43 {offsets = [0, 0], sizes = [64, 2048], strides = [1, 1]} : vector<128x2048xf32> to vector<64x2048xf32>
    %slice3A_45 = vector.extract_strided_slice %slice3A_43 {offsets = [64, 0], sizes = [64, 2048], strides = [1, 1]} : vector<128x2048xf32> to vector<64x2048xf32>
    %concatenate3A_46 = tpu.concatenate %slice3A_44, %slice3A_45 in 1 : vector<64x2048xf32>, vector<64x2048xf32> -> vector<64x4096xf32>
    %add3A_47 = arith.addf %concatenate3A_46, %concatenate3A_42 : vector<64x4096xf32>
    %max3A_48 = arith.constant 0.000000e+00 : f32
    %max3A_49 = vector.broadcast %max3A_48 : f32 to vector<64x4096xf32>
    %max3A_50 = arith.maximumf %add3A_47, %max3A_49 : vector<64x4096xf32>
    %concatenate3A_51 = tpu.concatenate %max3A_26, %max3A_50 in 0 : vector<64x4096xf32>, vector<64x4096xf32> -> vector<128x4096xf32>
    %swap3A = arith.constant 0 : index
    %swap3A_52 = arith.constant 0 : index
    %swap3A_53 = vector.load %arg6[%swap3A, %swap3A_52] : memref<128x4096xf32, #tpu.memory_space<vmem>>, vector<128x4096xf32>
    tpu.vector_store %arg6[%swap3A, %swap3A_52], %concatenate3A_51 {strides = array<i32>} : memref<128x4096xf32, #tpu.memory_space<vmem>>, vector<128x4096xf32>,
    return
  }
  func.func @transform_0(%arg0: i32) -> (i32, i32) {
    %c0_i32 = arith.constant 0 : i32
    %c0_i32_0 = arith.constant 0 : i32
    return %arg0, %c0_i32 : i32, i32
  }
  func.func @transform_1(%arg0: i32) -> (i32, i32, i32) {
    %c0_i32 = arith.constant 0 : i32
    %c0_i32_0 = arith.constant 0 : i32
    %c0_i32_1 = arith.constant 0 : i32
    return %arg0, %c0_i32, %c0_i32_0 : i32, i32, i32
  }
  func.func @transform_2(%arg0: i32) -> (i32, i32) {
    %c0_i32 = arith.constant 0 : i32
    %c0_i32_0 = arith.constant 0 : i32
    %c0_i32_1 = arith.constant 0 : i32
    return %c0_i32, %c0_i32_0 : i32, i32
  }
  func.func @transform_3(%arg0: i32) -> (i32, i32) {
    %c0_i32 = arith.constant 0 : i32
    %c0_i32_0 = arith.constant 0 : i32
    %c0_i32_1 = arith.constant 0 : i32
    return %c0_i32, %c0_i32_0 : i32, i32
  }
  func.func @transform_4(%arg0: i32) -> (i32, i32) {
    %c0_i32 = arith.constant 0 : i32
    %c0_i32_0 = arith.constant 0 : i32
    %c0_i32_1 = arith.constant 0 : i32
    return %c0_i32, %c0_i32_0 : i32, i32
  }
  func.func @transform_5(%arg0: i32) -> (i32, i32) {
    %c0_i32 = arith.constant 0 : i32
    %c0_i32_0 = arith.constant 0 : i32
    return %arg0, %c0_i32 : i32, i32
  }
}

</mosaic_0001>

<sc_bundles>
// kernel: kernel.5.cloned.1.call-start
scs
__scs_entry_jumppad:
0x0: {  	(pc) =	sbr.rel $0x88, $3  }
0x1: {  	(tag) =	ssettag $0x0;
	lr =	simm.s32 $0x1  }
0x2: {  	[smem:$0x3F9C] =	sst lr;
	_ =	strace $0xD0000000  }
0x3: {  	_ = 	snop  }
0x4: {  	_ = 	snop  }
0x5: {  	_ = 	snop  }
0x6: {  	_ = 	snop  }
0x7: {  	_ = 	snop  }
__scs_overlays_trampoline_lowered:
0x8: {  	[smem:$0x3FAB] =	sst s0  }
0x9: {  	[smem:$0x3FAC] =	sst s1  }
0xa: {  	[smem:$0x3FAD] =	sst s2  }
0xb: {  	[smem:$0x3FAE] =	sst s3  }
0xc: {  	[smem:$0x3FAF] =	sst s4  }
0xd: {  	[smem:$0x3FB0] =	sst s5  }
0xe: {  	[smem:$0x3FB1] =	sst s6  }
0xf: {  	[smem:$0x3FB2] =	sst s7  }
0x10: {  	[smem:$0x3FB3] =	sst s8  }
0x11: {  	[smem:$0x3FB4] =	sst s9;
	s0 =	simm.s32 @!p0 $0x0  }
0x12: {  	s1 =	sld [smem:$0x3F9A];
	s0 =	simm.s32 @p0 $0x1  }
0x13: {  	[smem:$0x3FB5] =	sst s0;
	s0 =	simm.s32 @!p1 $0x0  }
0x14: {  	s2 =	sld [smem:$0x3F99];
	s0 =	simm.s32 @p1 $0x1  }
0x15: {  	[smem:$0x3FB6] =	sst s0;
	s0 =	simm.s32 @!p2 $0x0  }
0x16: {  	s3 =	sld [smem:$0x3FDB];
	s0 =	simm.s32 @p2 $0x1  }
0x17: {  	s4 =	simm.s32 $0x1BF5;
	[smem:$0x3FB8] =	sst s0  }
0x18: {  	s0 =	sld [smem:$0x3F9B];
	_ =	swait.ge [sflag:s4], $0x0  }
0x19: {  	s7 =	sld [smem:$0x3F9C]  }
0x1a: {  	s8 =	sadd.s32 $0xFFFFE003, lr  }
0x1b: {  	s9 =	sadd.s32 $0xFFFFFEF7, lr;
	s5 =	simm.s32 $0xFFFFFFFF;
	p2 =	slt.u32 s8, $0xFFFFF086  }
0x1c: {  	p1 =	slt.u32 s9, $0xF7A;
	s5 =	simm.s32 @!p2 $0x0  }
0x1d: {  	s5 =	simm.s32 @p1 $0x1;
	p0 =	seq.s32 s7, s2  }
0x1e: {  	s7 =	smul.u32 @!p0 $0xF7A, s2;
	p2 =	seq.s32 @!p0 s5, $0x0  }
0x1f: {  	s9 =	smul.u32 $0xF7A, s1;
	s8 =	simm.s32 @!p0 $0x1BF5;
	p2 =	por !p2, p0  }
0x20: {  	[sflag:s8] =	ssyncset.s32 @!p0 $0xFFFFF086;
	s6 =	sadd.s32 @!p0 s3, s7;
	s7 =	simm.s32 @!p0 $0x108  }
0x21: {  	s3 =	sadd.s32 s3, s9;
	s6 =	sadd.s32 @!p0 $0x88, s6;
	s7 =	simm.s32 @p2 $0x1082  }
0x22: {  	[simem:s7], [sflag:s8] =	dma.local @!p0 [hbm:s6], $0xF7A  }
0x23: {  	s9 =	sor.u32 $0xD0000000, s2;
	s6 =	simm.s32 $0x108;
	_ =	swait.ge @!p0 [sflag:s8], $0x0  }
0x24: {  	s3 =	sadd.s32 $0x88, s3;
	s6 =	simm.s32 @!p1 $0x1082;
	[sflag:s4] =	ssyncset.s32 $0xFFFFF086  }
0x25: {  	[simem:s6], [sflag:s4] =	dma.local [hbm:s3], $0xF7A  }
0x26: {  	[smem:$0x3F9C] =	sst s1;
	(tag) =	ssettag s2;
	_ =	strace s9  }
0x27: {  	s1 =	sld [smem:$0x3FAC]  }
0x28: {  	s2 =	sld [smem:$0x3FAD]  }
0x29: {  	s4 =	sld [smem:$0x3FAF]  }
0x2a: {  	p0 =	seq.s32 s5, $0x0;
	s5 =	sld [smem:$0x3FB0]  }
0x2b: {  	s6 =	sld [smem:$0x3FB1]  }
0x2c: {  	s7 =	sld [smem:$0x3FB2]  }
0x2d: {  	s3 =	simm.s32 $0x108;
	s8 =	sld [smem:$0x3FB3]  }
0x2e: {  	s3 =	simm.s32 @!p0 $0x1082;
	s9 =	sld [smem:$0x3FB4]  }
0x2f: {  	lr =	sadd.s32 s0, s3;
	s0 =	sld [smem:$0x3FAB]  }
0x30: {  	s3 =	sld [smem:$0x3FAE]  }
0x31: {  	[smem:$0x3FB7] =	sst s10  }
0x32: {  	s10 =	sld [smem:$0x3FB5];
	_ =	sdelay $0x3  }
0x33: {  	p0 =	seq.s32 s10, $0x1;
	s10 =	sld [smem:$0x3FB7];
	_ =	sdelay $0x3  }
0x34: {  	[smem:$0x3FB7] =	sst s10  }
0x35: {  	s10 =	sld [smem:$0x3FB6];
	_ =	sdelay $0x3  }
0x36: {  	p1 =	seq.s32 s10, $0x1;
	s10 =	sld [smem:$0x3FB7];
	_ =	sdelay $0x3  }
0x37: {  	[smem:$0x3FB7] =	sst s10  }
0x38: {  	s10 =	sld [smem:$0x3FB8]  }
0x39: {  	_ = 	snop;
	(pc) =	sbr.ind lr, $3  }
0x3a: {  	_ = 	snop  }
0x3b: {  	_ = 	snop  }
0x3c: {  	p2 =	seq.s32 s10, $0x1;
	s10 =	sld [smem:$0x3FB7]  }
0x3d: {  	_ =	shalt  }
0x3e: {  	_ =	shalt  }
0x3f: {  	_ =	shalt  }
0x40: {  	_ =	shalt  }
0x41: {  	_ =	shalt  }
0x42: {  	_ =	shalt  }
0x43: {  	_ =	shalt  }
0x44: {  	_ =	shalt  }
0x45: {  	_ =	shalt  }
0x46: {  	_ =	shalt  }
0x47: {  	_ =	shalt  }
0x48: {  	_ =	shalt  }
0x49: {  	_ =	shalt  }
0x4a: {  	_ =	shalt  }
0x4b: {  	_ =	shalt  }
0x4c: {  	_ =	shalt  }
0x4d: {  	_ =	shalt  }
0x4e: {  	_ =	shalt  }
0x4f: {  	_ =	shalt  }
0x50: {  	_ =	shalt  }
0x51: {  	_ =	shalt  }
0x52: {  	_ =	shalt  }
0x53: {  	_ =	shalt  }
0x54: {  	_ =	shalt  }
0x55: {  	_ =	shalt  }
0x56: {  	_ =	shalt  }
0x57: {  	_ =	shalt  }
0x58: {  	_ =	shalt  }
0x59: {  	_ =	shalt  }
0x5a: {  	_ =	shalt  }
0x5b: {  	_ =	shalt  }
0x5c: {  	_ =	shalt  }
0x5d: {  	_ =	shalt  }
0x5e: {  	_ =	shalt  }
0x5f: {  	_ =	shalt  }
0x60: {  	_ =	shalt  }
0x61: {  	_ =	shalt  }
0x62: {  	_ =	shalt  }
0x63: {  	_ =	shalt  }
0x64: {  	_ =	shalt  }
0x65: {  	_ =	shalt  }
0x66: {  	_ =	shalt  }
0x67: {  	_ =	shalt  }
0x68: {  	_ =	shalt  }
0x69: {  	_ =	shalt  }
0x6a: {  	_ =	shalt  }
0x6b: {  	_ =	shalt  }
0x6c: {  	_ =	shalt  }
0x6d: {  	_ =	shalt  }
0x6e: {  	_ =	shalt  }
0x6f: {  	_ =	shalt  }
0x70: {  	_ =	shalt  }
0x71: {  	_ =	shalt  }
0x72: {  	_ =	shalt  }
0x73: {  	_ =	shalt  }
0x74: {  	_ =	shalt  }
0x75: {  	_ =	shalt  }
0x76: {  	_ =	shalt  }
0x77: {  	_ =	shalt  }
0x78: {  	_ =	shalt  }
0x79: {  	_ =	shalt  }
0x7a: {  	_ =	shalt  }
0x7b: {  	_ =	shalt  }
0x7c: {  	_ =	shalt  }
0x7d: {  	_ =	shalt  }
0x7e: {  	_ =	shalt  }
0x7f: {  	_ =	shalt  }
0x80: {  	_ =	shalt  }
0x81: {  	_ =	shalt  }
0x82: {  	_ =	shalt  }
0x83: {  	_ =	shalt  }
0x84: {  	_ =	shalt  }
0x85: {  	_ =	shalt  }
0x86: {  	_ =	shalt  }
0x87: {  	_ =	shalt  }
.Lfunc_end0:
.L_simem_size_0:
called_computation_lowered:
.L_overlay_start_0:
0x88: {  	s2 =	sld [smem:$0x3FD9]  }
0x89: {  	s3 =	sld [smem:$0x3FFE];
	_ =	sdelay $0x1  }
0x8a: {  	s1 =	srdreg.scid  }
0x8b: {  	s0 =	sand.u32 $0x1, s1  }
0x8c: {  	s17 =	sshll.u32 s0, $0xA;
	s2 =	sadd.s32 s3, s2  }
0x8d: {  	s2 =	sadd.s32 s2, s17  }
0x8e: {  	[smem:$0x3FC3] =	sst s2  }
0x8f: {  	_ = 	snop  }
0x90: {  	s2 =	sld [smem:$0x3FD0];
	(tm) =	ssettm $0x1  }
0x91: {  	s18 =	sld [smem:$0x3FFB];
	_ =	sdelay $0x3  }
0x92: {  	_ =	strace s18  }
0x93: {  	s3 =	sld [smem:$0x3FFC];
	_ =	sdelay $0x3  }
0x94: {  	_ =	strace s3  }
0x95: {  	s3 =	sld [smem:$0x3FFD];
	_ =	sdelay $0x3  }
0x96: {  	_ =	strace s3  }
0x97: {  	_ =	strace $0x8FFFFFFF  }
0x98: {  	s19 =	sld [smem:$0x3FDB];
	_ =	sdelay $0x1  }
0x99: {  	s4 =	simm.s32 $_scs_section_size  }
0x9a: {  	s5 =	simm.s32 $_size__tile_overlayer_lowered;
	s6 =	simm.s32 $_tile_overlayer_lowered  }
0x9b: {  	s22 =	simm.s32 $0x1BFF;
	s21 =	sshll.u32 s6, $0x1;
	s3 =	sadd.s32 s4, s19  }
0x9c: {  	s7 =	simm.s32 $0x0;
	s20 =	sshll.u32 s5, $0x1;
	s5 =	sadd.s32 s21, s3  }
0x9d: {  	[timem:s7], [sflag:s22] =	dma.local [hbm:s5], s20  }
0x9e: {  	_ =	swait.ge [sflag:s22], s20  }
0x9f: {  	s4 =	ssub.s32 $0x0, s20;
	[sflag:s22] =	ssyncset.done $0x0  }
0xa0: {  	[sflag:s22] =	ssyncadd.s32 s4;
	_ =	sdelay $0x1  }
0xa1: {  	s23 =	simm.s32 $0x1B8B  }
0xa2: {  	_ =	swait.ge [sflag:s23], $0x1  }
0xa3: {  	[sflag:s23] =	ssyncset.done $0x0  }
0xa4: {  	s25 =	simm.s32 $0x1B8E;
	s24 =	sld [smem:$0x3FFE];
	[sflag:s23] =	ssyncadd.s32 $0xFFFFFFFF  }
0xa5: {  	s26 =	simm.s32 $execute0_lowered;
	[smem:$0x3FD2] =	sst s25  }
0xa6: {  	s5 =	sshll.u32 s26, $0x1;
	_ =	strace $0x80000046;
	[dreg:$0x1] =	wrdreg $0xFFFFFFFF  }
0xa7: {  	s28 =	simm.s32 $_size_execute0_lowered;
	s3 =	sadd.s32 s3, s5;
	[dreg:$0x0] =	wrdreg $0x0  }
0xa8: {  	s5 =	sshll.u32 s28, $0x1;
	[dreg:$0x2] =	wrdreg s3  }
0xa9: {  	[dreg:$0x3] =	wrdreg s5  }
0xaa: {  	[dreg:$0x4] =	wrdreg $0xC0  }
0xab: {  	_ =	task [dreg:s7], $0x5FFFF  }
0xac: {  	[dreg:$0x1] =	wrdreg $0xFFFFFFFF  }
0xad: {  	[dreg:$0x0] =	wrdreg $0x60  }
0xae: {  	[dreg:$0x2] =	wrdreg s2  }
0xaf: {  	[dreg:$0x3] =	wrdreg s24  }
0xb0: {  	[dreg:$0x4] =	wrdreg $0x9  }
0xb1: {  	_ =	task.clear_ibuf [dreg:s7], $0x5FFFF;
	_ =	strace $0x90000046  }
0xb2: {  	s29 =	simm.s32 $0x9;
	_ =	strace $0x80000048  }
0xb3: {  	_ =	swait.ge [sflag:s29], $0x1  }
0xb4: {  	[sflag:s29] =	ssyncadd.s32 $0xFFFFFFFF  }
0xb5: {  	_ =	strace $0x90000048  }
0xb6: {  	_ =	sfence  }
0xb7: {  	s30 =	sld [smem:$0x0];
	_ =	sdelay $0x2  }
0xb8: {  	s31 =	sshll.u32 s1, $0xD;
	s1 =	sshrl.u32 s1, $0x2  }
0xb9: {  	s3 =	sand.u32 $0x4000, s31;
	s1 =	sadd.s32 s1, s30  }
0xba: {  	s0 =	sor.u32 s3, s0;
	s1 =	sshll.u32 s1, $0x11  }
0xbb: {  	s0 =	sor.u32 s1, s0  }
0xbc: {  	s0 =	sadd.s32 $0x8F2B, s0  }
0xbd: {  	[sflag:s0] =	ssyncadd.remote.s32 $0x1  }
0xbe: {  	_ =	sfence.sel $0xFFFF  }
0xbf: {  	[dreg:$0x0] =	wrdreg $0xFFFFFFFF;
	(pc) =	sbr.abs _section_cstart, $3  }
0xc0: {  	[dreg:$0x1] =	wrdreg $0xFFFFFFFF  }
0xc1: {  	_ =	task.clear_ibuf [dreg:s7], $0x2FFFF;
	_ =	strace $0x9FFFFFFF  }
0xc2: {  	(tm) =	ssettm $0x7FFFFFFF  }
0xc3: {  	_ =	shalt  }
tec
execute0_lowered:
.L_overlay_start_1:
0x0: {  	(tag) =	ssettag $0x1  }
0x1: {  	s4 =	rddreg [dreg:$0x0];
	s1 =	srdreg.scid  }
0x2: {  	s0 =	stileid.u32;
	s5 =	rddreg [dreg:$0x1];
	s2 =	simm.s32 $0x0  }
0x3: {  	s12 =	simm.s32 $0xE800;
	s13 =	simm.s32 $0x10800;
	s14 =	simm.s32 $0x12800  }
0x4: {  	s15 =	simm.s32 $0x14800;
	s16 =	simm.s32 $0x16800;
	s17 =	simm.s32 $0x18800  }
0x5: {  	s18 =	simm.s32 $0x1A800;
	s19 =	simm.s32 $0x1;
	s20 =	simm.s32 $0x0  }
0x6: {  	s3 =	sand.u32 $0x1, s1;
	s6 =	sshll.u32 s0, $0x1;
	s1 =	rddreg [dreg:$0x2]  }
0x7: {  	[smem:$0x7FF] =	sst s2;
	s7 =	smul.u32 $0x64000, s0;
	s6 =	sor.u32 s3, s6  }
0x8: {  	_ =	strace $0x80000047;
	s8 =	ssub.s32 $0x2, s3;
	s11 =	smul.u32 $0x32000, s3  }
0x9: {  	v0 =	vlaneseq.u32;
	s6 =	smul.u32 $0x640, s6;
	s10 =	sshrl.u32 s8, $0x1;
	s7 =	sadd.s32 s7, s5  }
0xa: {  	v1 =	vand.u32 $0x3, v0;
	s3 =	sadd.s32 $0xD400, s5;
	s8 =	ssub.s32 s8, s10;
	s7 =	sadd.s32 s11, s7  }
0xb: {  	v0 =	vmul.u32 $0x2, v0;
	v1 =	vmul.u32 $0x2, v1;
	s10 =	simm.s32 $0x80;
	s11 =	simm.s32 $0xC800;
	s9 =	sadd.s32 s6, s5  }
0xc: {  	s4 =	sadd.s32 s4, s6;
	s6 =	smax.u32 s8, $0x1;
	s7 =	sadd.s32 $0x7CD400, s7  }
0xd: {  	v2 =	vor.u32 $0x1, v0;
	v1 =	vor.u32 $0xFFFFFFF8, v1;
	s8 =	simm.s32 $0x2;
	s5 =	sadd.s32 $0xC00, s9;
	s9 =	simm.s32 $0x6400  }
.LBB2_1:
0xe: {  	[tilespmem:s2], [sflag:$0x2] =	stream.linear.gather [hbm4b:s4+s2], $0x3200, $0x38;
	[tilespmem:$0x1C800] =	vst v63  }
0xf: {  	_ =	swait.ge [sflag:s8], $0x3200  }
0x10: {  	[sflag:s8] =	ssyncset.done $0x0  }
0x11: {  	s21 =	simm.s32 $0x3200;
	[sflag:s8] =	ssyncadd.s32 $0xFFFFCE00  }
0x12: {  	[tilespmem:s21], [sflag:$0x2] =	stream.linear.gather [hbm4b:s5+s2], $0x3200, $0x38;
	[tilespmem:$0x1C800] =	vst v63  }
0x13: {  	_ =	swait.ge [sflag:s8], $0x3200  }
0x14: {  	[sflag:s8] =	ssyncset.done $0x0  }
0x15: {  	v3 =	vor.u32 s2, v0;
	[sflag:s8] =	ssyncadd.s32 $0xFFFFCE00  }
0x16: {  	v3 =	vand.u32 v1, v3;
	v4 =	vld [tilespmem:s2+$0x0];
	_ =	sdelay $0x4  }
0x17: {  	[tilespmem:v3+s9+$0x0] =	vst.idx.msk $0xffff, v4  }
0x18: {  	v5 =	vor.u32 s2, v2;
	v4 =	vld [tilespmem:s21+$0x0];
	_ =	sdelay $0x3  }
0x19: {  	s22 =	simm.s32 $0x20  }
0x1a: {  	s23 =	simm.s32 $0x40;
	s24 =	simm.s32 $0x10;
	v3 =	vor.u32 s22, v0;
	[tilespmem:v5+s9+$0x0] =	vst.idx.msk $0xffff, v4  }
.LBB2_2:
0x1b: {  	p0 =	sne.s32 s23, $0x63E0;
	v4 =	vld [tilespmem:s24+$0x0];
	v3 =	vand.u32 v1, v3;
	_ =	sdelay $0x4  }
0x1c: {  	s21 =	sadd.s32 $0x10, s21;
	[tilespmem:v3+s9+$0x0] =	vst.idx.msk $0xffff, v4  }
0x1d: {  	v5 =	vor.u32 s22, v2;
	s22 =	smov.u32 s23;
	v4 =	vld [tilespmem:s21+$0x0]  }
.Ltmp0:
0x1e: {  	(pc) =	sbr.rel @p0 .LBB2_2-.Ltmp0, $2  }
0x1f: {  	_ =	sdelay $0x2  }
0x20: {  	s23 =	sadd.s32 $0x20, s23;
	s24 =	sadd.s32 $0x10, s24;
	v3 =	vor.u32 s22, v0;
	[tilespmem:v5+s9+$0x0] =	vst.idx.msk $0xffff, v4  }
0x21: {  	v4 =	vld [tilespmem:s24+$0x0];
	v3 =	vand.u32 v1, v3;
	_ =	sdelay $0x4  }
0x22: {  	s21 =	sadd.s32 $0x10, s21;
	[tilespmem:v3+s9+$0x0] =	vst.idx.msk $0xffff, v4  }
0x23: {  	v63 =	vor.u32 s22, v2;
	v3 =	vld [tilespmem:s21+$0x0];
	_ =	sdelay $0x4  }
0x24: {  	s23 =	simm.s32 $0x6400;
	[tilespmem:v63+s9+$0x0] =	vst.idx.msk $0xffff, v3  }
0x25: {  	[tilespmem:s11], [sflag:$0x1] =	stream.indirect.gather [hbm4b:s3+s10], $0x40, s23, s10, $0xb8;
	[tilespmem:$0x1C800] =	vst v63  }
0x26: {  	s24 =	simm.s32 $0x6480  }
0x27: {  	[tilespmem:s12], [sflag:$0x1] =	stream.indirect.gather [hbm4b:s3+s10], $0x40, s24, s10, $0xb8;
	[tilespmem:$0x1C800] =	vst v63  }
0x28: {  	s25 =	simm.s32 $0x6500  }
0x29: {  	[tilespmem:s13], [sflag:$0x1] =	stream.indirect.gather [hbm4b:s3+s10], $0x40, s25, s10, $0xb8;
	[tilespmem:$0x1C800] =	vst v63  }
0x2a: {  	s26 =	simm.s32 $0x6580  }
0x2b: {  	[tilespmem:s14], [sflag:$0x1] =	stream.indirect.gather [hbm4b:s3+s10], $0x40, s26, s10, $0xb8;
	[tilespmem:$0x1C800] =	vst v63  }
0x2c: {  	s28 =	simm.s32 $0x6600  }
0x2d: {  	[tilespmem:s15], [sflag:$0x1] =	stream.indirect.gather [hbm4b:s3+s10], $0x40, s28, s10, $0xb8;
	[tilespmem:$0x1C800] =	vst v63  }
0x2e: {  	s29 =	simm.s32 $0x6680  }
0x2f: {  	[tilespmem:s16], [sflag:$0x1] =	stream.indirect.gather [hbm4b:s3+s10], $0x40, s29, s10, $0xb8;
	[tilespmem:$0x1C800] =	vst v63  }
0x30: {  	s30 =	simm.s32 $0x6700  }
0x31: {  	[tilespmem:s17], [sflag:$0x1] =	stream.indirect.gather [hbm4b:s3+s10], $0x40, s30, s10, $0xb8;
	[tilespmem:$0x1C800] =	vst v63  }
0x32: {  	s31 =	simm.s32 $0x6780  }
0x33: {  	[tilespmem:s18], [sflag:$0x1] =	stream.indirect.gather [hbm4b:s3+s10], $0x40, s31, s10, $0xb8;
	[tilespmem:$0x1C800] =	vst v63  }
0x34: {  	_ =	swait.ge [sflag:s19], $0x2000  }
0x35: {  	[sflag:s19] =	ssyncset.done $0x0  }
0x36: {  	[sflag:s19] =	ssyncadd.s32 $0xFFFFE000  }
0x37: {  	_ =	swait.ge [sflag:s19], $0x2000  }
0x38: {  	[sflag:s19] =	ssyncset.done $0x0  }
0x39: {  	[sflag:s19] =	ssyncadd.s32 $0xFFFFE000  }
0x3a: {  	_ =	swait.ge [sflag:s19], $0x2000  }
0x3b: {  	[sflag:s19] =	ssyncset.done $0x0  }
0x3c: {  	[sflag:s19] =	ssyncadd.s32 $0xFFFFE000  }
0x3d: {  	_ =	swait.ge [sflag:s19], $0x2000  }
0x3e: {  	[sflag:s19] =	ssyncset.done $0x0  }
0x3f: {  	[sflag:s19] =	ssyncadd.s32 $0xFFFFE000  }
0x40: {  	_ =	swait.ge [sflag:s19], $0x2000  }
0x41: {  	[sflag:s19] =	ssyncset.done $0x0  }
0x42: {  	[sflag:s19] =	ssyncadd.s32 $0xFFFFE000  }
0x43: {  	_ =	swait.ge [sflag:s19], $0x2000  }
0x44: {  	[sflag:s19] =	ssyncset.done $0x0  }
0x45: {  	[sflag:s19] =	ssyncadd.s32 $0xFFFFE000  }
0x46: {  	_ =	swait.ge [sflag:s19], $0x2000  }
0x47: {  	[sflag:s19] =	ssyncset.done $0x0  }
0x48: {  	[sflag:s19] =	ssyncadd.s32 $0xFFFFE000  }
0x49: {  	_ =	swait.ge [sflag:s19], $0x2000  }
0x4a: {  	[sflag:s19] =	ssyncset.done $0x0  }
0x4b: {  	[sflag:s19] =	ssyncadd.s32 $0xFFFFE000  }
0x4c: {  	[hbm4b:s7+s2] =	stream.linear.scatter [tilespmem:s11], [sflag:$0x2], $0x10000, $0x38;
	[tilespmem:$0x1C800] =	vst v63  }
0x4d: {  	s21 =	sadd.s32 $0x2000, s7;
	_ =	swait.ge [sflag:s8], $0x10000  }
0x4e: {  	s24 =	simm.s32 $0x400;
	s25 =	simm.s32 $0x2000;
	[sflag:s8] =	ssyncset.done $0x0  }
.LBB2_4:
0x4f: {  	s26 =	sadd.s32 $0x6400, s24  }
0x50: {  	[sflag:s8] =	ssyncadd.s32 $0xFFFF0000;
	s23 =	smov.u32 s25;
	s22 =	sadd.s32 $0x1000, s25  }
0x51: {  	[tilespmem:s11], [sflag:$0x1] =	stream.indirect.gather [hbm4b:s3+s10], $0x40, s26, s10, $0xb8;
	[tilespmem:$0x1C800] =	vst v63  }
0x52: {  	p0 =	sne.s32 s25, $0x18000;
	s25 =	sadd.s32 $0x6480, s24  }
0x53: {  	[tilespmem:s12], [sflag:$0x1] =	stream.indirect.gather [hbm4b:s3+s10], $0x40, s25, s10, $0xb8;
	[tilespmem:$0x1C800] =	vst v63  }
0x54: {  	s25 =	sadd.s32 $0x6500, s24  }
0x55: {  	[tilespmem:s13], [sflag:$0x1] =	stream.indirect.gather [hbm4b:s3+s10], $0x40, s25, s10, $0xb8;
	[tilespmem:$0x1C800] =	vst v63  }
0x56: {  	s25 =	sadd.s32 $0x6580, s24  }
0x57: {  	[tilespmem:s14], [sflag:$0x1] =	stream.indirect.gather [hbm4b:s3+s10], $0x40, s25, s10, $0xb8;
	[tilespmem:$0x1C800] =	vst v63  }
0x58: {  	s25 =	sadd.s32 $0x6600, s24  }
0x59: {  	[tilespmem:s15], [sflag:$0x1] =	stream.indirect.gather [hbm4b:s3+s10], $0x40, s25, s10, $0xb8;
	[tilespmem:$0x1C800] =	vst v63  }
0x5a: {  	s25 =	sadd.s32 $0x6680, s24  }
0x5b: {  	[tilespmem:s16], [sflag:$0x1] =	stream.indirect.gather [hbm4b:s3+s10], $0x40, s25, s10, $0xb8;
	[tilespmem:$0x1C800] =	vst v63  }
0x5c: {  	s25 =	sadd.s32 $0x6700, s24  }
0x5d: {  	[tilespmem:s17], [sflag:$0x1] =	stream.indirect.gather [hbm4b:s3+s10], $0x40, s25, s10, $0xb8;
	[tilespmem:$0x1C800] =	vst v63  }
0x5e: {  	s24 =	sadd.s32 $0x6780, s24  }
0x5f: {  	[tilespmem:s18], [sflag:$0x1] =	stream.indirect.gather [hbm4b:s3+s10], $0x40, s24, s10, $0xb8;
	[tilespmem:$0x1C800] =	vst v63  }
0x60: {  	_ =	swait.ge [sflag:s19], $0x2000  }
0x61: {  	[sflag:s19] =	ssyncset.done $0x0  }
0x62: {  	[sflag:s19] =	ssyncadd.s32 $0xFFFFE000  }
0x63: {  	_ =	swait.ge [sflag:s19], $0x2000  }
0x64: {  	[sflag:s19] =	ssyncset.done $0x0  }
0x65: {  	[sflag:s19] =	ssyncadd.s32 $0xFFFFE000  }
0x66: {  	_ =	swait.ge [sflag:s19], $0x2000  }
0x67: {  	[sflag:s19] =	ssyncset.done $0x0  }
0x68: {  	[sflag:s19] =	ssyncadd.s32 $0xFFFFE000  }
0x69: {  	_ =	swait.ge [sflag:s19], $0x2000  }
0x6a: {  	[sflag:s19] =	ssyncset.done $0x0  }
0x6b: {  	[sflag:s19] =	ssyncadd.s32 $0xFFFFE000  }
0x6c: {  	_ =	swait.ge [sflag:s19], $0x2000  }
0x6d: {  	[sflag:s19] =	ssyncset.done $0x0  }
0x6e: {  	[sflag:s19] =	ssyncadd.s32 $0xFFFFE000  }
0x6f: {  	_ =	swait.ge [sflag:s19], $0x2000  }
0x70: {  	[sflag:s19] =	ssyncset.done $0x0  }
0x71: {  	[sflag:s19] =	ssyncadd.s32 $0xFFFFE000  }
0x72: {  	_ =	swait.ge [sflag:s19], $0x2000  }
0x73: {  	[sflag:s19] =	ssyncset.done $0x0  }
0x74: {  	[sflag:s19] =	ssyncadd.s32 $0xFFFFE000  }
0x75: {  	_ =	swait.ge [sflag:s19], $0x2000  }
.Ltmp1:
0x76: {  	[sflag:s19] =	ssyncset.done $0x0;
	(pc) =	sbr.rel @p0 .LBB2_4-.Ltmp1, $4  }
0x77: {  	[sflag:s19] =	ssyncadd.s32 $0xFFFFE000  }
0x78: {  	[hbm4b:s21+s2] =	stream.linear.scatter [tilespmem:s11], [sflag:$0x2], $0x10000, $0x38;
	[tilespmem:$0x1C800] =	vst v63  }
0x79: {  	s25 =	smov.u32 s22;
	_ =	swait.ge [sflag:s8], $0x10000  }
0x7a: {  	s24 =	sshra.s32 s23, $0x2;
	s21 =	sadd.s32 $0x2000, s21;
	[sflag:s8] =	ssyncset.done $0x0  }
0x7b: {  	s22 =	sadd.s32 $0x6400, s24;
	[sflag:s8] =	ssyncadd.s32 $0xFFFF0000  }
0x7c: {  	[tilespmem:s11], [sflag:$0x1] =	stream.indirect.gather [hbm4b:s3+s10], $0x40, s22, s10, $0xb8;
	[tilespmem:$0x1C800] =	vst v63  }
0x7d: {  	s23 =	sadd.s32 $0x6480, s24  }
0x7e: {  	[tilespmem:s12], [sflag:$0x1] =	stream.indirect.gather [hbm4b:s3+s10], $0x40, s23, s10, $0xb8;
	[tilespmem:$0x1C800] =	vst v63  }
0x7f: {  	s25 =	sadd.s32 $0x6500, s24  }
0x80: {  	[tilespmem:s13], [sflag:$0x1] =	stream.indirect.gather [hbm4b:s3+s10], $0x40, s25, s10, $0xb8;
	[tilespmem:$0x1C800] =	vst v63  }
0x81: {  	s26 =	sadd.s32 $0x6580, s24  }
0x82: {  	[tilespmem:s14], [sflag:$0x1] =	stream.indirect.gather [hbm4b:s3+s10], $0x40, s26, s10, $0xb8;
	[tilespmem:$0x1C800] =	vst v63  }
0x83: {  	s28 =	sadd.s32 $0x6600, s24  }
0x84: {  	[tilespmem:s15], [sflag:$0x1] =	stream.indirect.gather [hbm4b:s3+s10], $0x40, s28, s10, $0xb8;
	[tilespmem:$0x1C800] =	vst v63  }
0x85: {  	s29 =	sadd.s32 $0x6680, s24  }
0x86: {  	[tilespmem:s16], [sflag:$0x1] =	stream.indirect.gather [hbm4b:s3+s10], $0x40, s29, s10, $0xb8;
	[tilespmem:$0x1C800] =	vst v63  }
0x87: {  	s30 =	sadd.s32 $0x6700, s24  }
0x88: {  	[tilespmem:s17], [sflag:$0x1] =	stream.indirect.gather [hbm4b:s3+s10], $0x40, s30, s10, $0xb8;
	[tilespmem:$0x1C800] =	vst v63  }
0x89: {  	s31 =	sadd.s32 $0x6780, s24  }
0x8a: {  	[tilespmem:s18], [sflag:$0x1] =	stream.indirect.gather [hbm4b:s3+s10], $0x40, s31, s10, $0xb8;
	[tilespmem:$0x1C800] =	vst v63  }
0x8b: {  	_ =	swait.ge [sflag:s19], $0x2000  }
0x8c: {  	[sflag:s19] =	ssyncset.done $0x0  }
0x8d: {  	[sflag:s19] =	ssyncadd.s32 $0xFFFFE000  }
0x8e: {  	_ =	swait.ge [sflag:s19], $0x2000  }
0x8f: {  	[sflag:s19] =	ssyncset.done $0x0  }
0x90: {  	[sflag:s19] =	ssyncadd.s32 $0xFFFFE000  }
0x91: {  	_ =	swait.ge [sflag:s19], $0x2000  }
0x92: {  	[sflag:s19] =	ssyncset.done $0x0  }
0x93: {  	[sflag:s19] =	ssyncadd.s32 $0xFFFFE000  }
0x94: {  	_ =	swait.ge [sflag:s19], $0x2000  }
0x95: {  	[sflag:s19] =	ssyncset.done $0x0  }
0x96: {  	[sflag:s19] =	ssyncadd.s32 $0xFFFFE000  }
0x97: {  	_ =	swait.ge [sflag:s19], $0x2000  }
0x98: {  	[sflag:s19] =	ssyncset.done $0x0  }
0x99: {  	[sflag:s19] =	ssyncadd.s32 $0xFFFFE000  }
0x9a: {  	_ =	swait.ge [sflag:s19], $0x2000  }
0x9b: {  	[sflag:s19] =	ssyncset.done $0x0  }
0x9c: {  	[sflag:s19] =	ssyncadd.s32 $0xFFFFE000  }
0x9d: {  	_ =	swait.ge [sflag:s19], $0x2000  }
0x9e: {  	[sflag:s19] =	ssyncset.done $0x0  }
0x9f: {  	[sflag:s19] =	ssyncadd.s32 $0xFFFFE000  }
0xa0: {  	s20 =	sadd.s32 $0x1, s20;
	_ =	swait.ge [sflag:s19], $0x2000  }
0xa1: {  	p0 =	sne.s32 s20, s6;
	[sflag:s19] =	ssyncset.done $0x0  }
.Ltmp2:
0xa2: {  	[sflag:s19] =	ssyncadd.s32 $0xFFFFE000;
	(pc) =	sbr.rel @p0 .LBB2_1-.Ltmp2, $4  }
0xa3: {  	[hbm4b:s21+s2] =	stream.linear.scatter [tilespmem:s11], [sflag:$0x2], $0x10000, $0x38;
	[tilespmem:$0x1C800] =	vst v63  }
0xa4: {  	_ =	swait.ge [sflag:s8], $0x10000  }
0xa5: {  	[sflag:s8] =	ssyncset.done $0x0  }
0xa6: {  	[sflag:s8] =	ssyncadd.s32 $0xFFFF0000  }
0xa7: {  	_ =	sfence.sel $0x180000  }
0xa8: {  	[bflag:$0x0] =	sbarrier.arrive $0xFFFF  }
0xa9: {  	p0 =	sne.s32 s0, $0x0;
	_ =	strace $0x90000047  }
0xaa: {  	s0 =	sadd.s32 @!p0 $0x100000, s1;
	[bflag:$0x2] =	sbarrier.arrive $0xFFFF  }
0xab: {  	[sflag:s0] =	ssyncadd.tile.s32 @!p0 $0x1;
	_ =	shalt  }
.Lfunc_end2:
_tile_overlayer_lowered:
.L_overlay_start_2:
0xac: {  	(tag) =	ssettag $0x2  }
0xad: {  	s0 =	rddreg [dreg:$0x0];
	s2 =	stileid.u32  }
0xae: {  	s1 =	rddreg [dreg:$0x1];
	p0 =	sne.s32 s2, $0x0  }
0xaf: {  	s3 =	rddreg [dreg:$0x2];
	[bflag:$0x3] =	sbarrier.arrive $0xFFFF;
	s2 =	simm.s32 @!p0 $0x1C02  }
0xb0: {  	[timem:s3], [sflag:s2] =	dma.local @!p0 [hbm:s0], s1  }
0xb1: {  	s0 =	simm.s32 @!p0 $0x2  }
0xb2: {  	_ =	swait.ge @!p0 [sflag:s0], s1  }
0xb3: {  	s1 =	ssub.s32 @!p0 $0x0, s1;
	[sflag:s0] =	ssyncset.done @!p0 $0x0  }
0xb4: {  	[sflag:s0] =	ssyncadd.s32 @!p0 s1  }
0xb5: {  	[bflag:$0x3] =	sbarrier.arrive $0xFFFF  }
0xb6: {  	_ =	shalt  }

</sc_bundles>
